<compile_context>
chip_gen: v7x
topology: tpu7x:2x2x1
jax: 0.10.2.dev20260603
libtpu: 0.0.44.dev20260713+nightly
codegen_flags: <defaults>
</compile_context>

<pallas_src>
import jax
import jax.numpy as jnp
from jax import lax
from jax.experimental import pallas as pl
from jax.experimental.pallas import tpu as pltpu
from jax.experimental.pallas import tpu_sc as plsc

B = 16384
D = 1024
NW = 32
CHUNK = B // NW
LANES = 16
R = 512
NSPLIT = 4
GRID = B // (R * NSPLIT)


def _sc_count_body(tag_hbm, out_hbm, tag_v, acc_v):
    c = lax.axis_index("c")
    s = lax.axis_index("s")
    wid = s * 2 + c
    base = wid * CHUNK
    pltpu.sync_copy(tag_hbm.at[pl.ds(base, CHUNK)], tag_v)
    acc = jnp.zeros((LANES,), jnp.int32)
    for k in range(CHUNK // LANES):
        acc = acc + tag_v[pl.ds(k * LANES, LANES)]
    acc_v[...] = acc.astype(jnp.float32)
    pltpu.sync_copy(acc_v, out_hbm.at[wid])


def _sc_count(tag):
    mesh = plsc.VectorSubcoreMesh(core_axis_name="c", subcore_axis_name="s")
    return pl.kernel(
        _sc_count_body,
        out_type=jax.ShapeDtypeStruct((NW, LANES), jnp.float32),
        mesh=mesh,
        scratch_types=[
            pltpu.VMEM((CHUNK,), jnp.int32),
            pltpu.VMEM((LANES,), jnp.float32),
        ],
        compiler_params=pltpu.CompilerParams(vmem_limit_bytes=2 * 1024 * 1024),
    )(tag)


def _tc_dense_body(tagt_ref, f0, f1, f2, f3, center_ref, out_ref):
    i = pl.program_id(0)
    c0 = center_ref[0:1, :]
    c1 = center_ref[1:2, :]
    s_all = jnp.float32(0.0)
    s_one = jnp.float32(0.0)
    for j, f_ref in enumerate((f0, f1, f2, f3)):
        f = f_ref[...]
        t = tagt_ref[:, j:j + 1]
        tf = t.astype(jnp.float32)
        diff = f - jnp.where(t != 0, c1, c0)
        s = jnp.sum(diff * diff, axis=1, keepdims=True)
        d = s * lax.rsqrt(jnp.maximum(s, jnp.float32(1e-30)))
        s_all = s_all + jnp.sum(d)
        s_one = s_one + jnp.sum(d * tf)
    lane = lax.broadcasted_iota(jnp.int32, (1, 1, 128), 2)
    out_ref[...] = jnp.where(lane == 0, s_all - s_one,
                             jnp.where(lane == 1, s_one, 0.0))


def _tc_dense(tagt, feature, center):
    feat_specs = [
        pl.BlockSpec((R, D), lambda i, j=j: (NSPLIT * i + j, 0))
        for j in range(NSPLIT)
    ]
    return pl.pallas_call(
        _tc_dense_body,
        grid=(GRID,),
        in_specs=[
            pl.BlockSpec((R, 128), lambda i: (0, i)),
            *feat_specs,
            pl.BlockSpec((2, D), lambda i: (0, 0)),
        ],
        out_specs=pl.BlockSpec((1, 1, 128), lambda i: (i, 0, 0)),
        out_shape=jax.ShapeDtypeStruct((GRID, 1, 128), jnp.float32),
    )(tagt, *([feature] * NSPLIT), center)


def _tc_combine_body(part_ref, counts_ref, out_ref):
    lane = lax.broadcasted_iota(jnp.int32, (GRID, 1, 128), 2)
    p = part_ref[...]
    s0 = jnp.sum(jnp.where(lane == 0, p, 0.0))
    s1 = jnp.sum(jnp.where(lane == 1, p, 0.0))
    n1 = jnp.sum(counts_ref[...])
    n0 = jnp.float32(B) - n1
    inv0 = jnp.where(n0 > 0, 1.0 / n0, 0.0)
    inv1 = jnp.where(n1 > 0, 1.0 / n1, 0.0)
    out_ref[...] = (s0 * inv0 + s1 * inv1).reshape(1, 1)


def _tc_combine(partials, counts):
    return pl.pallas_call(
        _tc_combine_body,
        out_shape=jax.ShapeDtypeStruct((1, 1), jnp.float32),
    )(partials, counts)


def kernel(tag, feature, center):
    counts = _sc_count(tag)
    t3 = tag.reshape(GRID, NSPLIT, R).transpose(2, 0, 1)
    tagt = jnp.pad(t3, ((0, 0), (0, 0), (0, 128 - NSPLIT))).reshape(R, GRID * 128)
    partials = _tc_dense(tagt, feature, center)
    loss = _tc_combine(partials, counts)
    return loss[0, 0]

# --- scband reference (transcript-rebuilt; emitter-appended) ---
"""Pipeline reference for scband-center-loss-16604343566558 (READ-ONLY COPY).

The authoritative reference and input builder live on the scoring server;
editing this copy changes nothing except your own understanding.
"""

import jax, jax.numpy as jnp
import numpy as np

B = 16384
CLASS_NUM = 2
FEATURE_DIM = 1024


def setup_inputs(seed: int = 0) -> dict:
    key = jax.random.key(seed)
    k1, k2, k3 = jax.random.split(key, 3)
    tag = jax.random.randint(k1, (B,), 0, CLASS_NUM, dtype=jnp.int32)
    feature = jax.random.normal(k2, (B, FEATURE_DIM), dtype=jnp.float32)
    # learned parameter: class centers [class_num, feature_dim]
    center = jax.random.normal(k3, (CLASS_NUM, FEATURE_DIM), dtype=jnp.float32)
    return {"tag": tag, "feature": feature, "center": center}


def reference(tag, feature, center):
    # c = self.center[tag]  (gather rows of center by class label)
    c = jnp.take(center, tag, axis=0)
    # _n = torch.histc(tag.float(), 2): with tag values in {0,1}, histc over
    # [min,max]=[0,1] with 2 bins is exactly the per-class count.
    _n = jnp.bincount(tag, length=CLASS_NUM).astype(feature.dtype)
    # n = _n[tag]  (gather per-sample class count)
    n = jnp.take(_n, tag, axis=0)
    # d = ((feature - c) ** 2).sum(1) ** 0.5
    d = jnp.sum((feature - c) ** 2, axis=1) ** 0.5
    # loss = (d / n).sum()
    loss = jnp.sum(d / n)
    return loss

if __name__ == "__main__":
    import jax
    _d = setup_inputs()
    print(jax.jit(kernel)(*tuple(_d.values())))

</pallas_src>

<mosaic_0001>
#map = affine_map<(d0, d1) -> (0)>
#map1 = affine_map<(d0, d1) -> (0, 0)>
module attributes {stable_mosaic.version = 14 : i64} {
  func.func @_sc_count_body(%arg0: i32, %arg1: i32, %arg2: memref<16384xi32, #tpu.memory_space<hbm>>, %arg3: memref<32x16xf32, #tpu.memory_space<hbm>>, %arg4: memref<512xi32, #tpu.memory_space<vmem>>, %arg5: memref<16xf32, #tpu.memory_space<vmem>>) attributes {dimension_semantics = [#tpu.dimension_semantics<core_parallel>, #tpu.dimension_semantics<subcore_parallel>], iteration_bounds = array<i64: 2, 16>, scalar_prefetch = 0 : i64, scratch_operands = 2 : i64, tpu.core_type = #tpu.core_type<sc_vector_subcore>, window_params = [{transform_indices = #map}, {transform_indices = #map1}]} {
    %mul3A = arith.constant 2 : i32
    %mul3A_0 = arith.muli %arg1, %mul3A : i32
    %add3A = arith.addi %mul3A_0, %arg0 : i32
    %mul3A_1 = arith.constant 512 : i32
    %mul3A_2 = arith.muli %add3A, %mul3A_1 : i32
    "tpu.region"() ({
      %run_scoped3A = tpu.sem_alloc : memref<!tpu.dma_semaphore, #tpu.memory_space<semaphore_mem>>
      %dma_start3A = tpu.memref_slice %arg2[%mul3A_2] : memref<16384xi32, #tpu.memory_space<hbm>> -> memref<512xi32, #tpu.memory_space<hbm>>
      %dma_start3A_134 = tpu.memref_slice %arg2[%mul3A_2] : memref<16384xi32, #tpu.memory_space<hbm>> -> memref<512xi32, #tpu.memory_space<hbm>>
      tpu.enqueue_dma source(%dma_start3A_134 : memref<512xi32, #tpu.memory_space<hbm>>) target(%arg4 : memref<512xi32, #tpu.memory_space<vmem>>) target_semaphore(%run_scoped3A : memref<!tpu.dma_semaphore, #tpu.memory_space<semaphore_mem>>)
      %dma_wait3A = tpu.memref_slice %arg2[%mul3A_2] : memref<16384xi32, #tpu.memory_space<hbm>> -> memref<512xi32, #tpu.memory_space<hbm>>
      %dma_wait3A_135 = tpu.memref_slice %arg2[%mul3A_2] : memref<16384xi32, #tpu.memory_space<hbm>> -> memref<512xi32, #tpu.memory_space<hbm>>
      tpu.wait_dma2 semaphore(%run_scoped3A : memref<!tpu.dma_semaphore, #tpu.memory_space<semaphore_mem>>) src(%dma_wait3A_135 : memref<512xi32, #tpu.memory_space<hbm>>) dst(%arg4 : memref<512xi32, #tpu.memory_space<vmem>>)
      tpu.yield
    }) : () -> ()
    %broadcast_in_dim3A = arith.constant 0 : i32
    %broadcast_in_dim3A_3 = vector.broadcast %broadcast_in_dim3A : i32 to vector<16xi32>
    %get3A = arith.constant 0 : index
    %get3A_4 = tpu.vector_load %arg4[%get3A] {strides = array<i32>} : memref<512xi32, #tpu.memory_space<vmem>>, vector<16xi32>,
    %get3A_5 = vector.shape_cast %get3A_4 : vector<16xi32> to vector<16xi32>
    %add3A_6 = arith.addi %broadcast_in_dim3A_3, %get3A_5 : vector<16xi32>
    %get3A_7 = arith.constant 16 : index
    %get3A_8 = tpu.vector_load %arg4[%get3A_7] {strides = array<i32>} : memref<512xi32, #tpu.memory_space<vmem>>, vector<16xi32>,
    %get3A_9 = vector.shape_cast %get3A_8 : vector<16xi32> to vector<16xi32>
    %add3A_10 = arith.addi %add3A_6, %get3A_9 : vector<16xi32>
    %get3A_11 = arith.constant 32 : index
    %get3A_12 = tpu.vector_load %arg4[%get3A_11] {strides = array<i32>} : memref<512xi32, #tpu.memory_space<vmem>>, vector<16xi32>,
    %get3A_13 = vector.shape_cast %get3A_12 : vector<16xi32> to vector<16xi32>
    %add3A_14 = arith.addi %add3A_10, %get3A_13 : vector<16xi32>
    %get3A_15 = arith.constant 48 : index
    %get3A_16 = tpu.vector_load %arg4[%get3A_15] {strides = array<i32>} : memref<512xi32, #tpu.memory_space<vmem>>, vector<16xi32>,
    %get3A_17 = vector.shape_cast %get3A_16 : vector<16xi32> to vector<16xi32>
    %add3A_18 = arith.addi %add3A_14, %get3A_17 : vector<16xi32>
    %get3A_19 = arith.constant 64 : index
    %get3A_20 = tpu.vector_load %arg4[%get3A_19] {strides = array<i32>} : memref<512xi32, #tpu.memory_space<vmem>>, vector<16xi32>,
    %get3A_21 = vector.shape_cast %get3A_20 : vector<16xi32> to vector<16xi32>
    %add3A_22 = arith.addi %add3A_18, %get3A_21 : vector<16xi32>
    %get3A_23 = arith.constant 80 : index
    %get3A_24 = tpu.vector_load %arg4[%get3A_23] {strides = array<i32>} : memref<512xi32, #tpu.memory_space<vmem>>, vector<16xi32>,
    %get3A_25 = vector.shape_cast %get3A_24 : vector<16xi32> to vector<16xi32>
    %add3A_26 = arith.addi %add3A_22, %get3A_25 : vector<16xi32>
    %get3A_27 = arith.constant 96 : index
    %get3A_28 = tpu.vector_load %arg4[%get3A_27] {strides = array<i32>} : memref<512xi32, #tpu.memory_space<vmem>>, vector<16xi32>,
    %get3A_29 = vector.shape_cast %get3A_28 : vector<16xi32> to vector<16xi32>
    %add3A_30 = arith.addi %add3A_26, %get3A_29 : vector<16xi32>
    %get3A_31 = arith.constant 112 : index
    %get3A_32 = tpu.vector_load %arg4[%get3A_31] {strides = array<i32>} : memref<512xi32, #tpu.memory_space<vmem>>, vector<16xi32>,
    %get3A_33 = vector.shape_cast %get3A_32 : vector<16xi32> to vector<16xi32>
    %add3A_34 = arith.addi %add3A_30, %get3A_33 : vector<16xi32>
    %get3A_35 = arith.constant 128 : index
    %get3A_36 = tpu.vector_load %arg4[%get3A_35] {strides = array<i32>} : memref<512xi32, #tpu.memory_space<vmem>>, vector<16xi32>,
    %get3A_37 = vector.shape_cast %get3A_36 : vector<16xi32> to vector<16xi32>
    %add3A_38 = arith.addi %add3A_34, %get3A_37 : vector<16xi32>
    %get3A_39 = arith.constant 144 : index
    %get3A_40 = tpu.vector_load %arg4[%get3A_39] {strides = array<i32>} : memref<512xi32, #tpu.memory_space<vmem>>, vector<16xi32>,
    %get3A_41 = vector.shape_cast %get3A_40 : vector<16xi32> to vector<16xi32>
    %add3A_42 = arith.addi %add3A_38, %get3A_41 : vector<16xi32>
    %get3A_43 = arith.constant 160 : index
    %get3A_44 = tpu.vector_load %arg4[%get3A_43] {strides = array<i32>} : memref<512xi32, #tpu.memory_space<vmem>>, vector<16xi32>,
    %get3A_45 = vector.shape_cast %get3A_44 : vector<16xi32> to vector<16xi32>
    %add3A_46 = arith.addi %add3A_42, %get3A_45 : vector<16xi32>
    %get3A_47 = arith.constant 176 : index
    %get3A_48 = tpu.vector_load %arg4[%get3A_47] {strides = array<i32>} : memref<512xi32, #tpu.memory_space<vmem>>, vector<16xi32>,
    %get3A_49 = vector.shape_cast %get3A_48 : vector<16xi32> to vector<16xi32>
    %add3A_50 = arith.addi %add3A_46, %get3A_49 : vector<16xi32>
    %get3A_51 = arith.constant 192 : index
    %get3A_52 = tpu.vector_load %arg4[%get3A_51] {strides = array<i32>} : memref<512xi32, #tpu.memory_space<vmem>>, vector<16xi32>,
    %get3A_53 = vector.shape_cast %get3A_52 : vector<16xi32> to vector<16xi32>
    %add3A_54 = arith.addi %add3A_50, %get3A_53 : vector<16xi32>
    %get3A_55 = arith.constant 208 : index
    %get3A_56 = tpu.vector_load %arg4[%get3A_55] {strides = array<i32>} : memref<512xi32, #tpu.memory_space<vmem>>, vector<16xi32>,
    %get3A_57 = vector.shape_cast %get3A_56 : vector<16xi32> to vector<16xi32>
    %add3A_58 = arith.addi %add3A_54, %get3A_57 : vector<16xi32>
    %get3A_59 = arith.constant 224 : index
    %get3A_60 = tpu.vector_load %arg4[%get3A_59] {strides = array<i32>} : memref<512xi32, #tpu.memory_space<vmem>>, vector<16xi32>,
    %get3A_61 = vector.shape_cast %get3A_60 : vector<16xi32> to vector<16xi32>
    %add3A_62 = arith.addi %add3A_58, %get3A_61 : vector<16xi32>
    %get3A_63 = arith.constant 240 : index
    %get3A_64 = tpu.vector_load %arg4[%get3A_63] {strides = array<i32>} : memref<512xi32, #tpu.memory_space<vmem>>, vector<16xi32>,
    %get3A_65 = vector.shape_cast %get3A_64 : vector<16xi32> to vector<16xi32>
    %add3A_66 = arith.addi %add3A_62, %get3A_65 : vector<16xi32>
    %get3A_67 = arith.constant 256 : index
    %get3A_68 = tpu.vector_load %arg4[%get3A_67] {strides = array<i32>} : memref<512xi32, #tpu.memory_space<vmem>>, vector<16xi32>,
    %get3A_69 = vector.shape_cast %get3A_68 : vector<16xi32> to vector<16xi32>
    %add3A_70 = arith.addi %add3A_66, %get3A_69 : vector<16xi32>
    %get3A_71 = arith.constant 272 : index
    %get3A_72 = tpu.vector_load %arg4[%get3A_71] {strides = array<i32>} : memref<512xi32, #tpu.memory_space<vmem>>, vector<16xi32>,
    %get3A_73 = vector.shape_cast %get3A_72 : vector<16xi32> to vector<16xi32>
    %add3A_74 = arith.addi %add3A_70, %get3A_73 : vector<16xi32>
    %get3A_75 = arith.constant 288 : index
    %get3A_76 = tpu.vector_load %arg4[%get3A_75] {strides = array<i32>} : memref<512xi32, #tpu.memory_space<vmem>>, vector<16xi32>,
    %get3A_77 = vector.shape_cast %get3A_76 : vector<16xi32> to vector<16xi32>
    %add3A_78 = arith.addi %add3A_74, %get3A_77 : vector<16xi32>
    %get3A_79 = arith.constant 304 : index
    %get3A_80 = tpu.vector_load %arg4[%get3A_79] {strides = array<i32>} : memref<512xi32, #tpu.memory_space<vmem>>, vector<16xi32>,
    %get3A_81 = vector.shape_cast %get3A_80 : vector<16xi32> to vector<16xi32>
    %add3A_82 = arith.addi %add3A_78, %get3A_81 : vector<16xi32>
    %get3A_83 = arith.constant 320 : index
    %get3A_84 = tpu.vector_load %arg4[%get3A_83] {strides = array<i32>} : memref<512xi32, #tpu.memory_space<vmem>>, vector<16xi32>,
    %get3A_85 = vector.shape_cast %get3A_84 : vector<16xi32> to vector<16xi32>
    %add3A_86 = arith.addi %add3A_82, %get3A_85 : vector<16xi32>
    %get3A_87 = arith.constant 336 : index
    %get3A_88 = tpu.vector_load %arg4[%get3A_87] {strides = array<i32>} : memref<512xi32, #tpu.memory_space<vmem>>, vector<16xi32>,
    %get3A_89 = vector.shape_cast %get3A_88 : vector<16xi32> to vector<16xi32>
    %add3A_90 = arith.addi %add3A_86, %get3A_89 : vector<16xi32>
    %get3A_91 = arith.constant 352 : index
    %get3A_92 = tpu.vector_load %arg4[%get3A_91] {strides = array<i32>} : memref<512xi32, #tpu.memory_space<vmem>>, vector<16xi32>,
    %get3A_93 = vector.shape_cast %get3A_92 : vector<16xi32> to vector<16xi32>
    %add3A_94 = arith.addi %add3A_90, %get3A_93 : vector<16xi32>
    %get3A_95 = arith.constant 368 : index
    %get3A_96 = tpu.vector_load %arg4[%get3A_95] {strides = array<i32>} : memref<512xi32, #tpu.memory_space<vmem>>, vector<16xi32>,
    %get3A_97 = vector.shape_cast %get3A_96 : vector<16xi32> to vector<16xi32>
    %add3A_98 = arith.addi %add3A_94, %get3A_97 : vector<16xi32>
    %get3A_99 = arith.constant 384 : index
    %get3A_100 = tpu.vector_load %arg4[%get3A_99] {strides = array<i32>} : memref<512xi32, #tpu.memory_space<vmem>>, vector<16xi32>,
    %get3A_101 = vector.shape_cast %get3A_100 : vector<16xi32> to vector<16xi32>
    %add3A_102 = arith.addi %add3A_98, %get3A_101 : vector<16xi32>
    %get3A_103 = arith.constant 400 : index
    %get3A_104 = tpu.vector_load %arg4[%get3A_103] {strides = array<i32>} : memref<512xi32, #tpu.memory_space<vmem>>, vector<16xi32>,
    %get3A_105 = vector.shape_cast %get3A_104 : vector<16xi32> to vector<16xi32>
    %add3A_106 = arith.addi %add3A_102, %get3A_105 : vector<16xi32>
    %get3A_107 = arith.constant 416 : index
    %get3A_108 = tpu.vector_load %arg4[%get3A_107] {strides = array<i32>} : memref<512xi32, #tpu.memory_space<vmem>>, vector<16xi32>,
    %get3A_109 = vector.shape_cast %get3A_108 : vector<16xi32> to vector<16xi32>
    %add3A_110 = arith.addi %add3A_106, %get3A_109 : vector<16xi32>
    %get3A_111 = arith.constant 432 : index
    %get3A_112 = tpu.vector_load %arg4[%get3A_111] {strides = array<i32>} : memref<512xi32, #tpu.memory_space<vmem>>, vector<16xi32>,
    %get3A_113 = vector.shape_cast %get3A_112 : vector<16xi32> to vector<16xi32>
    %add3A_114 = arith.addi %add3A_110, %get3A_113 : vector<16xi32>
    %get3A_115 = arith.constant 448 : index
    %get3A_116 = tpu.vector_load %arg4[%get3A_115] {strides = array<i32>} : memref<512xi32, #tpu.memory_space<vmem>>, vector<16xi32>,
    %get3A_117 = vector.shape_cast %get3A_116 : vector<16xi32> to vector<16xi32>
    %add3A_118 = arith.addi %add3A_114, %get3A_117 : vector<16xi32>
    %get3A_119 = arith.constant 464 : index
    %get3A_120 = tpu.vector_load %arg4[%get3A_119] {strides = array<i32>} : memref<512xi32, #tpu.memory_space<vmem>>, vector<16xi32>,
    %get3A_121 = vector.shape_cast %get3A_120 : vector<16xi32> to vector<16xi32>
    %add3A_122 = arith.addi %add3A_118, %get3A_121 : vector<16xi32>
    %get3A_123 = arith.constant 480 : index
    %get3A_124 = tpu.vector_load %arg4[%get3A_123] {strides = array<i32>} : memref<512xi32, #tpu.memory_space<vmem>>, vector<16xi32>,
    %get3A_125 = vector.shape_cast %get3A_124 : vector<16xi32> to vector<16xi32>
    %add3A_126 = arith.addi %add3A_122, %get3A_125 : vector<16xi32>
    %get3A_127 = arith.constant 496 : index
    %get3A_128 = tpu.vector_load %arg4[%get3A_127] {strides = array<i32>} : memref<512xi32, #tpu.memory_space<vmem>>, vector<16xi32>,
    %get3A_129 = vector.shape_cast %get3A_128 : vector<16xi32> to vector<16xi32>
    %add3A_130 = arith.addi %add3A_126, %get3A_129 : vector<16xi32>
    %convert_element_type3A = arith.sitofp %add3A_130 : vector<16xi32> to vector<16xf32>
    %swap3A = arith.constant 0 : index
    %swap3A_131 = tpu.vector_load %arg5[%swap3A] {strides = array<i32>} : memref<16xf32, #tpu.memory_space<vmem>>, vector<16xf32>,
    %swap3A_132 = vector.shape_cast %swap3A_131 : vector<16xf32> to vector<16xf32>
    %swap3A_133 = vector.shape_cast %convert_element_type3A : vector<16xf32> to vector<16xf32>
    tpu.vector_store %arg5[%swap3A], %swap3A_133 {strides = array<i32>} : memref<16xf32, #tpu.memory_space<vmem>>, vector<16xf32>,
    "tpu.region"() ({
      %run_scoped3A = tpu.sem_alloc : memref<!tpu.dma_semaphore, #tpu.memory_space<semaphore_mem>>
      %dma_start3A = arith.constant 0 : i32
      %dma_start3A_134 = tpu.memref_slice %arg3[%add3A, %dma_start3A] : memref<32x16xf32, #tpu.memory_space<hbm>> -> memref<1x16xf32, #tpu.memory_space<hbm>>
      %dma_start3A_135 = tpu.memref_squeeze %dma_start3A_134 : memref<1x16xf32, #tpu.memory_space<hbm>> -> memref<16xf32, #tpu.memory_space<hbm>>
      %dma_start3A_136 = arith.constant 0 : i32
      %dma_start3A_137 = tpu.memref_slice %arg3[%add3A, %dma_start3A_136] : memref<32x16xf32, #tpu.memory_space<hbm>> -> memref<1x16xf32, #tpu.memory_space<hbm>>
      %dma_start3A_138 = tpu.memref_squeeze %dma_start3A_137 : memref<1x16xf32, #tpu.memory_space<hbm>> -> memref<16xf32, #tpu.memory_space<hbm>>
      tpu.enqueue_dma source(%arg5 : memref<16xf32, #tpu.memory_space<vmem>>) target(%dma_start3A_138 : memref<16xf32, #tpu.memory_space<hbm>>) target_semaphore(%run_scoped3A : memref<!tpu.dma_semaphore, #tpu.memory_space<semaphore_mem>>)
      %dma_wait3A = arith.constant 0 : i32
      %dma_wait3A_139 = tpu.memref_slice %arg3[%add3A, %dma_wait3A] : memref<32x16xf32, #tpu.memory_space<hbm>> -> memref<1x16xf32, #tpu.memory_space<hbm>>
      %dma_wait3A_140 = tpu.memref_squeeze %dma_wait3A_139 : memref<1x16xf32, #tpu.memory_space<hbm>> -> memref<16xf32, #tpu.memory_space<hbm>>
      %dma_wait3A_141 = arith.constant 0 : i32
      %dma_wait3A_142 = tpu.memref_slice %arg3[%add3A, %dma_wait3A_141] : memref<32x16xf32, #tpu.memory_space<hbm>> -> memref<1x16xf32, #tpu.memory_space<hbm>>
      %dma_wait3A_143 = tpu.memref_squeeze %dma_wait3A_142 : memref<1x16xf32, #tpu.memory_space<hbm>> -> memref<16xf32, #tpu.memory_space<hbm>>
      tpu.wait_dma2 semaphore(%run_scoped3A : memref<!tpu.dma_semaphore, #tpu.memory_space<semaphore_mem>>) src(%arg5 : memref<16xf32, #tpu.memory_space<vmem>>) dst(%dma_wait3A_143 : memref<16xf32, #tpu.memory_space<hbm>>)
      tpu.yield
    }) : () -> ()
    return
  }
}

module attributes {stable_mosaic.version = 14 : i64} {
  func.func @_tc_dense_body(%arg0: i32, %arg1: memref<512x128xi32, #tpu.memory_space<vmem>>, %arg2: memref<512x1024xf32, #tpu.memory_space<vmem>>, %arg3: memref<512x1024xf32, #tpu.memory_space<vmem>>, %arg4: memref<512x1024xf32, #tpu.memory_space<vmem>>, %arg5: memref<512x1024xf32, #tpu.memory_space<vmem>>, %arg6: memref<2x1024xf32, #tpu.memory_space<vmem>>, %arg7: memref<1x1x128xf32, #tpu.memory_space<vmem>>) attributes {dimension_semantics = [#tpu.dimension_semantics<arbitrary>], iteration_bounds = array<i64: 8>, scalar_prefetch = 0 : i64, scratch_operands = 0 : i64, tpu.core_type = #tpu.core_type<tc>, window_params = [{transform_indices = @transform_0, window_bounds = array<i64: 512, 128>}, {transform_indices = @transform_1, window_bounds = array<i64: 512, 1024>}, {transform_indices = @transform_2, window_bounds = array<i64: 512, 1024>}, {transform_indices = @transform_3, window_bounds = array<i64: 512, 1024>}, {transform_indices = @transform_4, window_bounds = array<i64: 512, 1024>}, {pipeline_mode = #tpu.pipeline_mode<synchronous>, transform_indices = @transform_5, window_bounds = array<i64: 2, 1024>}, {transform_indices = @transform_6, window_bounds = array<i64: 1, 1, 128>}]} {
    %get3A = arith.constant 0 : index
    %get3A_0 = arith.constant 0 : index
    %get3A_1 = vector.load %arg6[%get3A, %get3A_0] : memref<2x1024xf32, #tpu.memory_space<vmem>>, vector<1x1024xf32>
    %get3A_2 = arith.constant 1 : index
    %get3A_3 = arith.constant 0 : index
    %get3A_4 = vector.load %arg6[%get3A_2, %get3A_3] : memref<2x1024xf32, #tpu.memory_space<vmem>>, vector<1x1024xf32>
    %get3A_5 = arith.constant 0 : index
    %get3A_6 = arith.constant 0 : index
    %get3A_7 = vector.load %arg2[%get3A_5, %get3A_6] : memref<512x1024xf32, #tpu.memory_space<vmem>>, vector<512x1024xf32>
    %get3A_8 = arith.constant 0 : index
    %get3A_9 = arith.constant 0 : index
    %get3A_10 = vector.load %arg1[%get3A_8, %get3A_9] : memref<512x128xi32, #tpu.memory_space<vmem>>, vector<512x1xi32>
    %convert_element_type3A = arith.sitofp %get3A_10 : vector<512x1xi32> to vector<512x1xf32>
    %ne3A = arith.constant 0 : i32
    %ne3A_11 = vector.broadcast %ne3A : i32 to vector<512x1xi32>
    %ne3A_12 = arith.cmpi ne, %get3A_10, %ne3A_11 : vector<512x1xi32>
    %broadcast_in_dim3A = vector.shape_cast %ne3A_12 : vector<512x1xi1> to vector<512x1xi1>
    %broadcast_in_dim3A_13 = vector.broadcast %broadcast_in_dim3A : vector<512x1xi1> to vector<512x1024xi1>
    %broadcast_in_dim3A_14 = vector.shape_cast %get3A_4 : vector<1x1024xf32> to vector<1x1024xf32>
    %broadcast_in_dim3A_15 = vector.broadcast %broadcast_in_dim3A_14 : vector<1x1024xf32> to vector<512x1024xf32>
    %broadcast_in_dim3A_16 = vector.shape_cast %get3A_1 : vector<1x1024xf32> to vector<1x1024xf32>
    %broadcast_in_dim3A_17 = vector.broadcast %broadcast_in_dim3A_16 : vector<1x1024xf32> to vector<512x1024xf32>
    %select_n3A = arith.select %broadcast_in_dim3A_13, %broadcast_in_dim3A_15, %broadcast_in_dim3A_17 : vector<512x1024xi1>, vector<512x1024xf32>
    %sub3A = arith.subf %get3A_7, %select_n3A : vector<512x1024xf32>
    %mul3A = arith.mulf %sub3A, %sub3A : vector<512x1024xf32>
    %reduce_sum3A = arith.constant dense<0.000000e+00> : vector<512xf32>
    %reduce_sum3A_18 = vector.multi_reduction <add>, %mul3A, %reduce_sum3A [1] : vector<512x1024xf32> to vector<512xf32>
    %broadcast_in_dim3A_19 = vector.shape_cast %reduce_sum3A_18 : vector<512xf32> to vector<512x1xf32>
    %max3A = arith.constant 1.000000e-30 : f32
    %max3A_20 = vector.broadcast %max3A : f32 to vector<512x1xf32>
    %max3A_21 = arith.maximumf %broadcast_in_dim3A_19, %max3A_20 : vector<512x1xf32>
    %rsqrt3A = math.rsqrt %max3A_21 : vector<512x1xf32>
    %mul3A_22 = arith.mulf %broadcast_in_dim3A_19, %rsqrt3A : vector<512x1xf32>
    %reduce_sum3A_23 = vector.shape_cast %mul3A_22 : vector<512x1xf32> to vector<1x512x1xf32>
    %reduce_sum3A_24 = arith.constant dense<0.000000e+00> : vector<1xf32>
    %reduce_sum3A_25 = vector.multi_reduction <add>, %reduce_sum3A_23, %reduce_sum3A_24 [1, 2] : vector<1x512x1xf32> to vector<1xf32>
    %reduce_sum3A_26 = vector.shape_cast %reduce_sum3A_25 : vector<1xf32> to vector<1x1x1xf32>
    %reduce_sum3A_27 = vector.extract %reduce_sum3A_26[0, 0, 0] : f32 from vector<1x1x1xf32>
    %add3A = arith.constant 0.000000e+00 : f32
    %add3A_28 = arith.addf %add3A, %reduce_sum3A_27 : f32
    %mul3A_29 = arith.mulf %mul3A_22, %convert_element_type3A : vector<512x1xf32>
    %reduce_sum3A_30 = vector.shape_cast %mul3A_29 : vector<512x1xf32> to vector<1x512x1xf32>
    %reduce_sum3A_31 = arith.constant dense<0.000000e+00> : vector<1xf32>
    %reduce_sum3A_32 = vector.multi_reduction <add>, %reduce_sum3A_30, %reduce_sum3A_31 [1, 2] : vector<1x512x1xf32> to vector<1xf32>
    %reduce_sum3A_33 = vector.shape_cast %reduce_sum3A_32 : vector<1xf32> to vector<1x1x1xf32>
    %reduce_sum3A_34 = vector.extract %reduce_sum3A_33[0, 0, 0] : f32 from vector<1x1x1xf32>
    %add3A_35 = arith.constant 0.000000e+00 : f32
    %add3A_36 = arith.addf %add3A_35, %reduce_sum3A_34 : f32
    %get3A_37 = arith.constant 0 : index
    %get3A_38 = arith.constant 0 : index
    %get3A_39 = vector.load %arg3[%get3A_37, %get3A_38] : memref<512x1024xf32, #tpu.memory_space<vmem>>, vector<512x1024xf32>
    %get3A_40 = arith.constant 0 : index
    %get3A_41 = arith.constant 1 : index
    %get3A_42 = vector.load %arg1[%get3A_40, %get3A_41] : memref<512x128xi32, #tpu.memory_space<vmem>>, vector<512x1xi32>
    %convert_element_type3A_43 = arith.sitofp %get3A_42 : vector<512x1xi32> to vector<512x1xf32>
    %ne3A_44 = arith.constant 0 : i32
    %ne3A_45 = vector.broadcast %ne3A_44 : i32 to vector<512x1xi32>
    %ne3A_46 = arith.cmpi ne, %get3A_42, %ne3A_45 : vector<512x1xi32>
    %broadcast_in_dim3A_47 = vector.shape_cast %ne3A_46 : vector<512x1xi1> to vector<512x1xi1>
    %broadcast_in_dim3A_48 = vector.broadcast %broadcast_in_dim3A_47 : vector<512x1xi1> to vector<512x1024xi1>
    %broadcast_in_dim3A_49 = vector.shape_cast %get3A_4 : vector<1x1024xf32> to vector<1x1024xf32>
    %broadcast_in_dim3A_50 = vector.broadcast %broadcast_in_dim3A_49 : vector<1x1024xf32> to vector<512x1024xf32>
    %broadcast_in_dim3A_51 = vector.shape_cast %get3A_1 : vector<1x1024xf32> to vector<1x1024xf32>
    %broadcast_in_dim3A_52 = vector.broadcast %broadcast_in_dim3A_51 : vector<1x1024xf32> to vector<512x1024xf32>
    %select_n3A_53 = arith.select %broadcast_in_dim3A_48, %broadcast_in_dim3A_50, %broadcast_in_dim3A_52 : vector<512x1024xi1>, vector<512x1024xf32>
    %sub3A_54 = arith.subf %get3A_39, %select_n3A_53 : vector<512x1024xf32>
    %mul3A_55 = arith.mulf %sub3A_54, %sub3A_54 : vector<512x1024xf32>
    %reduce_sum3A_56 = arith.constant dense<0.000000e+00> : vector<512xf32>
    %reduce_sum3A_57 = vector.multi_reduction <add>, %mul3A_55, %reduce_sum3A_56 [1] : vector<512x1024xf32> to vector<512xf32>
    %broadcast_in_dim3A_58 = vector.shape_cast %reduce_sum3A_57 : vector<512xf32> to vector<512x1xf32>
    %max3A_59 = arith.constant 1.000000e-30 : f32
    %max3A_60 = vector.broadcast %max3A_59 : f32 to vector<512x1xf32>
    %max3A_61 = arith.maximumf %broadcast_in_dim3A_58, %max3A_60 : vector<512x1xf32>
    %rsqrt3A_62 = math.rsqrt %max3A_61 : vector<512x1xf32>
    %mul3A_63 = arith.mulf %broadcast_in_dim3A_58, %rsqrt3A_62 : vector<512x1xf32>
    %reduce_sum3A_64 = vector.shape_cast %mul3A_63 : vector<512x1xf32> to vector<1x512x1xf32>
    %reduce_sum3A_65 = arith.constant dense<0.000000e+00> : vector<1xf32>
    %reduce_sum3A_66 = vector.multi_reduction <add>, %reduce_sum3A_64, %reduce_sum3A_65 [1, 2] : vector<1x512x1xf32> to vector<1xf32>
    %reduce_sum3A_67 = vector.shape_cast %reduce_sum3A_66 : vector<1xf32> to vector<1x1x1xf32>
    %reduce_sum3A_68 = vector.extract %reduce_sum3A_67[0, 0, 0] : f32 from vector<1x1x1xf32>
    %add3A_69 = arith.addf %add3A_28, %reduce_sum3A_68 : f32
    %mul3A_70 = arith.mulf %mul3A_63, %convert_element_type3A_43 : vector<512x1xf32>
    %reduce_sum3A_71 = vector.shape_cast %mul3A_70 : vector<512x1xf32> to vector<1x512x1xf32>
    %reduce_sum3A_72 = arith.constant dense<0.000000e+00> : vector<1xf32>
    %reduce_sum3A_73 = vector.multi_reduction <add>, %reduce_sum3A_71, %reduce_sum3A_72 [1, 2] : vector<1x512x1xf32> to vector<1xf32>
    %reduce_sum3A_74 = vector.shape_cast %reduce_sum3A_73 : vector<1xf32> to vector<1x1x1xf32>
    %reduce_sum3A_75 = vector.extract %reduce_sum3A_74[0, 0, 0] : f32 from vector<1x1x1xf32>
    %add3A_76 = arith.addf %add3A_36, %reduce_sum3A_75 : f32
    %get3A_77 = arith.constant 0 : index
    %get3A_78 = arith.constant 0 : index
    %get3A_79 = vector.load %arg4[%get3A_77, %get3A_78] : memref<512x1024xf32, #tpu.memory_space<vmem>>, vector<512x1024xf32>
    %get3A_80 = arith.constant 0 : index
    %get3A_81 = arith.constant 2 : index
    %get3A_82 = vector.load %arg1[%get3A_80, %get3A_81] : memref<512x128xi32, #tpu.memory_space<vmem>>, vector<512x1xi32>
    %convert_element_type3A_83 = arith.sitofp %get3A_82 : vector<512x1xi32> to vector<512x1xf32>
    %ne3A_84 = arith.constant 0 : i32
    %ne3A_85 = vector.broadcast %ne3A_84 : i32 to vector<512x1xi32>
    %ne3A_86 = arith.cmpi ne, %get3A_82, %ne3A_85 : vector<512x1xi32>
    %broadcast_in_dim3A_87 = vector.shape_cast %ne3A_86 : vector<512x1xi1> to vector<512x1xi1>
    %broadcast_in_dim3A_88 = vector.broadcast %broadcast_in_dim3A_87 : vector<512x1xi1> to vector<512x1024xi1>
    %broadcast_in_dim3A_89 = vector.shape_cast %get3A_4 : vector<1x1024xf32> to vector<1x1024xf32>
    %broadcast_in_dim3A_90 = vector.broadcast %broadcast_in_dim3A_89 : vector<1x1024xf32> to vector<512x1024xf32>
    %broadcast_in_dim3A_91 = vector.shape_cast %get3A_1 : vector<1x1024xf32> to vector<1x1024xf32>
    %broadcast_in_dim3A_92 = vector.broadcast %broadcast_in_dim3A_91 : vector<1x1024xf32> to vector<512x1024xf32>
    %select_n3A_93 = arith.select %broadcast_in_dim3A_88, %broadcast_in_dim3A_90, %broadcast_in_dim3A_92 : vector<512x1024xi1>, vector<512x1024xf32>
    %sub3A_94 = arith.subf %get3A_79, %select_n3A_93 : vector<512x1024xf32>
    %mul3A_95 = arith.mulf %sub3A_94, %sub3A_94 : vector<512x1024xf32>
    %reduce_sum3A_96 = arith.constant dense<0.000000e+00> : vector<512xf32>
    %reduce_sum3A_97 = vector.multi_reduction <add>, %mul3A_95, %reduce_sum3A_96 [1] : vector<512x1024xf32> to vector<512xf32>
    %broadcast_in_dim3A_98 = vector.shape_cast %reduce_sum3A_97 : vector<512xf32> to vector<512x1xf32>
    %max3A_99 = arith.constant 1.000000e-30 : f32
    %max3A_100 = vector.broadcast %max3A_99 : f32 to vector<512x1xf32>
    %max3A_101 = arith.maximumf %broadcast_in_dim3A_98, %max3A_100 : vector<512x1xf32>
    %rsqrt3A_102 = math.rsqrt %max3A_101 : vector<512x1xf32>
    %mul3A_103 = arith.mulf %broadcast_in_dim3A_98, %rsqrt3A_102 : vector<512x1xf32>
    %reduce_sum3A_104 = vector.shape_cast %mul3A_103 : vector<512x1xf32> to vector<1x512x1xf32>
    %reduce_sum3A_105 = arith.constant dense<0.000000e+00> : vector<1xf32>
    %reduce_sum3A_106 = vector.multi_reduction <add>, %reduce_sum3A_104, %reduce_sum3A_105 [1, 2] : vector<1x512x1xf32> to vector<1xf32>
    %reduce_sum3A_107 = vector.shape_cast %reduce_sum3A_106 : vector<1xf32> to vector<1x1x1xf32>
    %reduce_sum3A_108 = vector.extract %reduce_sum3A_107[0, 0, 0] : f32 from vector<1x1x1xf32>
    %add3A_109 = arith.addf %add3A_69, %reduce_sum3A_108 : f32
    %mul3A_110 = arith.mulf %mul3A_103, %convert_element_type3A_83 : vector<512x1xf32>
    %reduce_sum3A_111 = vector.shape_cast %mul3A_110 : vector<512x1xf32> to vector<1x512x1xf32>
    %reduce_sum3A_112 = arith.constant dense<0.000000e+00> : vector<1xf32>
    %reduce_sum3A_113 = vector.multi_reduction <add>, %reduce_sum3A_111, %reduce_sum3A_112 [1, 2] : vector<1x512x1xf32> to vector<1xf32>
    %reduce_sum3A_114 = vector.shape_cast %reduce_sum3A_113 : vector<1xf32> to vector<1x1x1xf32>
    %reduce_sum3A_115 = vector.extract %reduce_sum3A_114[0, 0, 0] : f32 from vector<1x1x1xf32>
    %add3A_116 = arith.addf %add3A_76, %reduce_sum3A_115 : f32
    %get3A_117 = arith.constant 0 : index
    %get3A_118 = arith.constant 0 : index
    %get3A_119 = vector.load %arg5[%get3A_117, %get3A_118] : memref<512x1024xf32, #tpu.memory_space<vmem>>, vector<512x1024xf32>
    %get3A_120 = arith.constant 0 : index
    %get3A_121 = arith.constant 3 : index
    %get3A_122 = vector.load %arg1[%get3A_120, %get3A_121] : memref<512x128xi32, #tpu.memory_space<vmem>>, vector<512x1xi32>
    %convert_element_type3A_123 = arith.sitofp %get3A_122 : vector<512x1xi32> to vector<512x1xf32>
    %ne3A_124 = arith.constant 0 : i32
    %ne3A_125 = vector.broadcast %ne3A_124 : i32 to vector<512x1xi32>
    %ne3A_126 = arith.cmpi ne, %get3A_122, %ne3A_125 : vector<512x1xi32>
    %broadcast_in_dim3A_127 = vector.shape_cast %ne3A_126 : vector<512x1xi1> to vector<512x1xi1>
    %broadcast_in_dim3A_128 = vector.broadcast %broadcast_in_dim3A_127 : vector<512x1xi1> to vector<512x1024xi1>
    %broadcast_in_dim3A_129 = vector.shape_cast %get3A_4 : vector<1x1024xf32> to vector<1x1024xf32>
    %broadcast_in_dim3A_130 = vector.broadcast %broadcast_in_dim3A_129 : vector<1x1024xf32> to vector<512x1024xf32>
    %broadcast_in_dim3A_131 = vector.shape_cast %get3A_1 : vector<1x1024xf32> to vector<1x1024xf32>
    %broadcast_in_dim3A_132 = vector.broadcast %broadcast_in_dim3A_131 : vector<1x1024xf32> to vector<512x1024xf32>
    %select_n3A_133 = arith.select %broadcast_in_dim3A_128, %broadcast_in_dim3A_130, %broadcast_in_dim3A_132 : vector<512x1024xi1>, vector<512x1024xf32>
    %sub3A_134 = arith.subf %get3A_119, %select_n3A_133 : vector<512x1024xf32>
    %mul3A_135 = arith.mulf %sub3A_134, %sub3A_134 : vector<512x1024xf32>
    %reduce_sum3A_136 = arith.constant dense<0.000000e+00> : vector<512xf32>
    %reduce_sum3A_137 = vector.multi_reduction <add>, %mul3A_135, %reduce_sum3A_136 [1] : vector<512x1024xf32> to vector<512xf32>
    %broadcast_in_dim3A_138 = vector.shape_cast %reduce_sum3A_137 : vector<512xf32> to vector<512x1xf32>
    %max3A_139 = arith.constant 1.000000e-30 : f32
    %max3A_140 = vector.broadcast %max3A_139 : f32 to vector<512x1xf32>
    %max3A_141 = arith.maximumf %broadcast_in_dim3A_138, %max3A_140 : vector<512x1xf32>
    %rsqrt3A_142 = math.rsqrt %max3A_141 : vector<512x1xf32>
    %mul3A_143 = arith.mulf %broadcast_in_dim3A_138, %rsqrt3A_142 : vector<512x1xf32>
    %reduce_sum3A_144 = vector.shape_cast %mul3A_143 : vector<512x1xf32> to vector<1x512x1xf32>
    %reduce_sum3A_145 = arith.constant dense<0.000000e+00> : vector<1xf32>
    %reduce_sum3A_146 = vector.multi_reduction <add>, %reduce_sum3A_144, %reduce_sum3A_145 [1, 2] : vector<1x512x1xf32> to vector<1xf32>
    %reduce_sum3A_147 = vector.shape_cast %reduce_sum3A_146 : vector<1xf32> to vector<1x1x1xf32>
    %reduce_sum3A_148 = vector.extract %reduce_sum3A_147[0, 0, 0] : f32 from vector<1x1x1xf32>
    %add3A_149 = arith.addf %add3A_109, %reduce_sum3A_148 : f32
    %mul3A_150 = arith.mulf %mul3A_143, %convert_element_type3A_123 : vector<512x1xf32>
    %reduce_sum3A_151 = vector.shape_cast %mul3A_150 : vector<512x1xf32> to vector<1x512x1xf32>
    %reduce_sum3A_152 = arith.constant dense<0.000000e+00> : vector<1xf32>
    %reduce_sum3A_153 = vector.multi_reduction <add>, %reduce_sum3A_151, %reduce_sum3A_152 [1, 2] : vector<1x512x1xf32> to vector<1xf32>
    %reduce_sum3A_154 = vector.shape_cast %reduce_sum3A_153 : vector<1xf32> to vector<1x1x1xf32>
    %reduce_sum3A_155 = vector.extract %reduce_sum3A_154[0, 0, 0] : f32 from vector<1x1x1xf32>
    %add3A_156 = arith.addf %add3A_116, %reduce_sum3A_155 : f32
    %iota3A = tpu.iota {dimensions = array<i32: 2>} : vector<1x1x128xi32>
    %eq3A = arith.constant 0 : i32
    %eq3A_157 = vector.broadcast %eq3A : i32 to vector<1x1x128xi32>
    %eq3A_158 = arith.cmpi eq, %iota3A, %eq3A_157 : vector<1x1x128xi32>
    %sub3A_159 = arith.subf %add3A_149, %add3A_156 : f32
    %eq3A_160 = arith.constant 1 : i32
    %eq3A_161 = vector.broadcast %eq3A_160 : i32 to vector<1x1x128xi32>
    %eq3A_162 = arith.cmpi eq, %iota3A, %eq3A_161 : vector<1x1x128xi32>
    %jit3A = arith.constant 0.000000e+00 : f32
    %broadcast_in_dim3A_163 = vector.broadcast %add3A_156 : f32 to vector<1x1x128xf32>
    %broadcast_in_dim3A_164 = vector.broadcast %jit3A : f32 to vector<1x1x128xf32>
    %select_n3A_165 = arith.select %eq3A_162, %broadcast_in_dim3A_163, %broadcast_in_dim3A_164 : vector<1x1x128xi1>, vector<1x1x128xf32>
    %broadcast_in_dim3A_166 = vector.broadcast %sub3A_159 : f32 to vector<1x1x128xf32>
    %select_n3A_167 = arith.select %eq3A_158, %broadcast_in_dim3A_166, %select_n3A_165 : vector<1x1x128xi1>, vector<1x1x128xf32>
    %swap3A = arith.constant 0 : index
    %swap3A_168 = arith.constant 0 : index
    %swap3A_169 = arith.constant 0 : index
    %swap3A_170 = vector.load %arg7[%swap3A, %swap3A_168, %swap3A_169] : memref<1x1x128xf32, #tpu.memory_space<vmem>>, vector<1x1x128xf32>
    tpu.vector_store %arg7[%swap3A, %swap3A_168, %swap3A_169], %select_n3A_167 {strides = array<i32>} : memref<1x1x128xf32, #tpu.memory_space<vmem>>, vector<1x1x128xf32>,
    return
  }
  func.func @transform_0(%arg0: i32) -> (i32, i32) {
    %c0_i32 = arith.constant 0 : i32
    %c0_i32_0 = arith.constant 0 : i32
    return %c0_i32, %arg0 : i32, i32
  }
  func.func @transform_1(%arg0: i32) -> (i32, i32) {
    %mul3A = arith.constant 4 : i32
    %mul3A_0 = arith.muli %mul3A, %arg0 : i32
    %add3A = arith.constant 0 : i32
    %add3A_1 = arith.addi %mul3A_0, %add3A : i32
    %c0_i32 = arith.constant 0 : i32
    %c0_i32_2 = arith.constant 0 : i32
    return %add3A_1, %c0_i32 : i32, i32
  }
  func.func @transform_2(%arg0: i32) -> (i32, i32) {
    %mul3A = arith.constant 4 : i32
    %mul3A_0 = arith.muli %mul3A, %arg0 : i32
    %add3A = arith.constant 1 : i32
    %add3A_1 = arith.addi %mul3A_0, %add3A : i32
    %c0_i32 = arith.constant 0 : i32
    %c0_i32_2 = arith.constant 0 : i32
    return %add3A_1, %c0_i32 : i32, i32
  }
  func.func @transform_3(%arg0: i32) -> (i32, i32) {
    %mul3A = arith.constant 4 : i32
    %mul3A_0 = arith.muli %mul3A, %arg0 : i32
    %add3A = arith.constant 2 : i32
    %add3A_1 = arith.addi %mul3A_0, %add3A : i32
    %c0_i32 = arith.constant 0 : i32
    %c0_i32_2 = arith.constant 0 : i32
    return %add3A_1, %c0_i32 : i32, i32
  }
  func.func @transform_4(%arg0: i32) -> (i32, i32) {
    %mul3A = arith.constant 4 : i32
    %mul3A_0 = arith.muli %mul3A, %arg0 : i32
    %add3A = arith.constant 3 : i32
    %add3A_1 = arith.addi %mul3A_0, %add3A : i32
    %c0_i32 = arith.constant 0 : i32
    %c0_i32_2 = arith.constant 0 : i32
    return %add3A_1, %c0_i32 : i32, i32
  }
  func.func @transform_5(%arg0: i32) -> (i32, i32) {
    %c0_i32 = arith.constant 0 : i32
    %c0_i32_0 = arith.constant 0 : i32
    %c0_i32_1 = arith.constant 0 : i32
    return %c0_i32, %c0_i32_0 : i32, i32
  }
  func.func @transform_6(%arg0: i32) -> (i32, i32, i32) {
    %c0_i32 = arith.constant 0 : i32
    %c0_i32_0 = arith.constant 0 : i32
    %c0_i32_1 = arith.constant 0 : i32
    return %arg0, %c0_i32, %c0_i32_0 : i32, i32, i32
  }
}

module attributes {stable_mosaic.version = 14 : i64} {
  func.func @_tc_combine_body(%arg0: memref<8x1x128xf32, #tpu.memory_space<vmem>>, %arg1: memref<32x16xf32, #tpu.memory_space<vmem>>, %arg2: memref<1x1xf32, #tpu.memory_space<vmem>>) attributes {dimension_semantics = [], scalar_prefetch = 0 : i64, scratch_operands = 0 : i64, tpu.core_type = #tpu.core_type<tc>} {
    %iota3A = tpu.iota {dimensions = array<i32: 2>} : vector<8x1x128xi32>
    %get3A = arith.constant 0 : index
    %get3A_0 = arith.constant 0 : index
    %get3A_1 = arith.constant 0 : index
    %get3A_2 = vector.load %arg0[%get3A, %get3A_0, %get3A_1] : memref<8x1x128xf32, #tpu.memory_space<vmem>>, vector<8x1x128xf32>
    %eq3A = arith.constant 0 : i32
    %eq3A_3 = vector.broadcast %eq3A : i32 to vector<8x1x128xi32>
    %eq3A_4 = arith.cmpi eq, %iota3A, %eq3A_3 : vector<8x1x128xi32>
    %jit3A = arith.constant 0.000000e+00 : f32
    %broadcast_in_dim3A = vector.broadcast %jit3A : f32 to vector<8x1x128xf32>
    %select_n3A = arith.select %eq3A_4, %get3A_2, %broadcast_in_dim3A : vector<8x1x128xi1>, vector<8x1x128xf32>
    %reduce_sum3A = vector.shape_cast %select_n3A : vector<8x1x128xf32> to vector<1x8x1x128xf32>
    %reduce_sum3A_5 = arith.constant dense<0.000000e+00> : vector<1xf32>
    %reduce_sum3A_6 = vector.multi_reduction <add>, %reduce_sum3A, %reduce_sum3A_5 [1, 2, 3] : vector<1x8x1x128xf32> to vector<1xf32>
    %reduce_sum3A_7 = vector.shape_cast %reduce_sum3A_6 : vector<1xf32> to vector<1x1x1x1xf32>
    %reduce_sum3A_8 = vector.extract %reduce_sum3A_7[0, 0, 0, 0] : f32 from vector<1x1x1x1xf32>
    %eq3A_9 = arith.constant 1 : i32
    %eq3A_10 = vector.broadcast %eq3A_9 : i32 to vector<8x1x128xi32>
    %eq3A_11 = arith.cmpi eq, %iota3A, %eq3A_10 : vector<8x1x128xi32>
    %jit3A_12 = arith.constant 0.000000e+00 : f32
    %broadcast_in_dim3A_13 = vector.broadcast %jit3A_12 : f32 to vector<8x1x128xf32>
    %select_n3A_14 = arith.select %eq3A_11, %get3A_2, %broadcast_in_dim3A_13 : vector<8x1x128xi1>, vector<8x1x128xf32>
    %reduce_sum3A_15 = vector.shape_cast %select_n3A_14 : vector<8x1x128xf32> to vector<1x8x1x128xf32>
    %reduce_sum3A_16 = arith.constant dense<0.000000e+00> : vector<1xf32>
    %reduce_sum3A_17 = vector.multi_reduction <add>, %reduce_sum3A_15, %reduce_sum3A_16 [1, 2, 3] : vector<1x8x1x128xf32> to vector<1xf32>
    %reduce_sum3A_18 = vector.shape_cast %reduce_sum3A_17 : vector<1xf32> to vector<1x1x1x1xf32>
    %reduce_sum3A_19 = vector.extract %reduce_sum3A_18[0, 0, 0, 0] : f32 from vector<1x1x1x1xf32>
    %get3A_20 = arith.constant 0 : index
    %get3A_21 = arith.constant 0 : index
    %get3A_22 = vector.load %arg1[%get3A_20, %get3A_21] : memref<32x16xf32, #tpu.memory_space<vmem>>, vector<32x16xf32>
    %reduce_sum3A_23 = vector.shape_cast %get3A_22 : vector<32x16xf32> to vector<1x32x16xf32>
    %reduce_sum3A_24 = arith.constant dense<0.000000e+00> : vector<1xf32>
    %reduce_sum3A_25 = vector.multi_reduction <add>, %reduce_sum3A_23, %reduce_sum3A_24 [1, 2] : vector<1x32x16xf32> to vector<1xf32>
    %reduce_sum3A_26 = vector.shape_cast %reduce_sum3A_25 : vector<1xf32> to vector<1x1x1xf32>
    %reduce_sum3A_27 = vector.extract %reduce_sum3A_26[0, 0, 0] : f32 from vector<1x1x1xf32>
    %sub3A = arith.constant 1.638400e+04 : f32
    %sub3A_28 = arith.subf %sub3A, %reduce_sum3A_27 : f32
    %gt3A = arith.constant 0.000000e+00 : f32
    %gt3A_29 = arith.cmpf ogt, %sub3A_28, %gt3A : f32
    %div3A = arith.constant 1.000000e+00 : f32
    %div3A_30 = arith.divf %div3A, %sub3A_28 : f32
    %jit3A_31 = arith.constant 0.000000e+00 : f32
    %select_n3A_32 = arith.select %gt3A_29, %div3A_30, %jit3A_31 : f32
    %gt3A_33 = arith.constant 0.000000e+00 : f32
    %gt3A_34 = arith.cmpf ogt, %reduce_sum3A_27, %gt3A_33 : f32
    %div3A_35 = arith.constant 1.000000e+00 : f32
    %div3A_36 = arith.divf %div3A_35, %reduce_sum3A_27 : f32
    %jit3A_37 = arith.constant 0.000000e+00 : f32
    %select_n3A_38 = arith.select %gt3A_34, %div3A_36, %jit3A_37 : f32
    %mul3A = arith.mulf %reduce_sum3A_8, %select_n3A_32 : f32
    %mul3A_39 = arith.mulf %reduce_sum3A_19, %select_n3A_38 : f32
    %add3A = arith.addf %mul3A, %mul3A_39 : f32
    %reshape3A = vector.broadcast %add3A : f32 to vector<1x1xf32>
    %swap3A = arith.constant 0 : index
    %swap3A_40 = arith.constant 0 : index
    %swap3A_41 = vector.load %arg2[%swap3A, %swap3A_40] : memref<1x1xf32, #tpu.memory_space<vmem>>, vector<1x1xf32>
    tpu.vector_store %arg2[%swap3A, %swap3A_40], %reshape3A {strides = array<i32>} : memref<1x1xf32, #tpu.memory_space<vmem>>, vector<1x1xf32>,
    return
  }
}

</mosaic_0001>

<sc_bundles>
// kernel: kernel.5.cloned.1.call-start
scs
__scs_entry_jumppad:
0x0: {  	(pc) =	sbr.rel $0x88, $3  }
0x1: {  	(tag) =	ssettag $0x0;
	lr =	simm.s32 $0x1  }
0x2: {  	[smem:$0x3F9E] =	sst lr;
	_ =	strace $0xD0000000  }
0x3: {  	_ = 	snop  }
0x4: {  	_ = 	snop  }
0x5: {  	_ = 	snop  }
0x6: {  	_ = 	snop  }
0x7: {  	_ = 	snop  }
__scs_overlays_trampoline_lowered:
0x8: {  	[smem:$0x3FAD] =	sst s0  }
0x9: {  	[smem:$0x3FAE] =	sst s1  }
0xa: {  	[smem:$0x3FAF] =	sst s2  }
0xb: {  	[smem:$0x3FB0] =	sst s3  }
0xc: {  	[smem:$0x3FB1] =	sst s4  }
0xd: {  	[smem:$0x3FB2] =	sst s5  }
0xe: {  	[smem:$0x3FB3] =	sst s6  }
0xf: {  	[smem:$0x3FB4] =	sst s7  }
0x10: {  	[smem:$0x3FB5] =	sst s8  }
0x11: {  	[smem:$0x3FB6] =	sst s9;
	s0 =	simm.s32 @!p0 $0x0  }
0x12: {  	s1 =	sld [smem:$0x3F9C];
	s0 =	simm.s32 @p0 $0x1  }
0x13: {  	[smem:$0x3FB7] =	sst s0;
	s0 =	simm.s32 @!p1 $0x0  }
0x14: {  	s2 =	sld [smem:$0x3F9B];
	s0 =	simm.s32 @p1 $0x1  }
0x15: {  	[smem:$0x3FB8] =	sst s0;
	s0 =	simm.s32 @!p2 $0x0  }
0x16: {  	s3 =	sld [smem:$0x3FDB];
	s0 =	simm.s32 @p2 $0x1  }
0x17: {  	s4 =	simm.s32 $0x1BF5;
	[smem:$0x3FBA] =	sst s0  }
0x18: {  	s0 =	sld [smem:$0x3F9D];
	_ =	swait.ge [sflag:s4], $0x0  }
0x19: {  	s7 =	sld [smem:$0x3F9E]  }
0x1a: {  	s8 =	sadd.s32 $0xFFFFE003, lr  }
0x1b: {  	s9 =	sadd.s32 $0xFFFFFEF7, lr;
	s5 =	simm.s32 $0xFFFFFFFF;
	p2 =	slt.u32 s8, $0xFFFFF086  }
0x1c: {  	p1 =	slt.u32 s9, $0xF7A;
	s5 =	simm.s32 @!p2 $0x0  }
0x1d: {  	s5 =	simm.s32 @p1 $0x1;
	p0 =	seq.s32 s7, s2  }
0x1e: {  	s7 =	smul.u32 @!p0 $0xF7A, s2;
	p2 =	seq.s32 @!p0 s5, $0x0  }
0x1f: {  	s9 =	smul.u32 $0xF7A, s1;
	s8 =	simm.s32 @!p0 $0x1BF5;
	p2 =	por !p2, p0  }
0x20: {  	[sflag:s8] =	ssyncset.s32 @!p0 $0xFFFFF086;
	s6 =	sadd.s32 @!p0 s3, s7;
	s7 =	simm.s32 @!p0 $0x108  }
0x21: {  	s3 =	sadd.s32 s3, s9;
	s6 =	sadd.s32 @!p0 $0x88, s6;
	s7 =	simm.s32 @p2 $0x1082  }
0x22: {  	[simem:s7], [sflag:s8] =	dma.local @!p0 [hbm:s6], $0xF7A  }
0x23: {  	s9 =	sor.u32 $0xD0000000, s2;
	s6 =	simm.s32 $0x108;
	_ =	swait.ge @!p0 [sflag:s8], $0x0  }
0x24: {  	s3 =	sadd.s32 $0x88, s3;
	s6 =	simm.s32 @!p1 $0x1082;
	[sflag:s4] =	ssyncset.s32 $0xFFFFF086  }
0x25: {  	[simem:s6], [sflag:s4] =	dma.local [hbm:s3], $0xF7A  }
0x26: {  	[smem:$0x3F9E] =	sst s1;
	(tag) =	ssettag s2;
	_ =	strace s9  }
0x27: {  	s1 =	sld [smem:$0x3FAE]  }
0x28: {  	s2 =	sld [smem:$0x3FAF]  }
0x29: {  	s4 =	sld [smem:$0x3FB1]  }
0x2a: {  	p0 =	seq.s32 s5, $0x0;
	s5 =	sld [smem:$0x3FB2]  }
0x2b: {  	s6 =	sld [smem:$0x3FB3]  }
0x2c: {  	s7 =	sld [smem:$0x3FB4]  }
0x2d: {  	s3 =	simm.s32 $0x108;
	s8 =	sld [smem:$0x3FB5]  }
0x2e: {  	s3 =	simm.s32 @!p0 $0x1082;
	s9 =	sld [smem:$0x3FB6]  }
0x2f: {  	lr =	sadd.s32 s0, s3;
	s0 =	sld [smem:$0x3FAD]  }
0x30: {  	s3 =	sld [smem:$0x3FB0]  }
0x31: {  	[smem:$0x3FB9] =	sst s10  }
0x32: {  	s10 =	sld [smem:$0x3FB7];
	_ =	sdelay $0x3  }
0x33: {  	p0 =	seq.s32 s10, $0x1;
	s10 =	sld [smem:$0x3FB9];
	_ =	sdelay $0x3  }
0x34: {  	[smem:$0x3FB9] =	sst s10  }
0x35: {  	s10 =	sld [smem:$0x3FB8];
	_ =	sdelay $0x3  }
0x36: {  	p1 =	seq.s32 s10, $0x1;
	s10 =	sld [smem:$0x3FB9];
	_ =	sdelay $0x3  }
0x37: {  	[smem:$0x3FB9] =	sst s10  }
0x38: {  	s10 =	sld [smem:$0x3FBA]  }
0x39: {  	_ = 	snop;
	(pc) =	sbr.ind lr, $3  }
0x3a: {  	_ = 	snop  }
0x3b: {  	_ = 	snop  }
0x3c: {  	p2 =	seq.s32 s10, $0x1;
	s10 =	sld [smem:$0x3FB9]  }
0x3d: {  	_ =	shalt  }
0x3e: {  	_ =	shalt  }
0x3f: {  	_ =	shalt  }
0x40: {  	_ =	shalt  }
0x41: {  	_ =	shalt  }
0x42: {  	_ =	shalt  }
0x43: {  	_ =	shalt  }
0x44: {  	_ =	shalt  }
0x45: {  	_ =	shalt  }
0x46: {  	_ =	shalt  }
0x47: {  	_ =	shalt  }
0x48: {  	_ =	shalt  }
0x49: {  	_ =	shalt  }
0x4a: {  	_ =	shalt  }
0x4b: {  	_ =	shalt  }
0x4c: {  	_ =	shalt  }
0x4d: {  	_ =	shalt  }
0x4e: {  	_ =	shalt  }
0x4f: {  	_ =	shalt  }
0x50: {  	_ =	shalt  }
0x51: {  	_ =	shalt  }
0x52: {  	_ =	shalt  }
0x53: {  	_ =	shalt  }
0x54: {  	_ =	shalt  }
0x55: {  	_ =	shalt  }
0x56: {  	_ =	shalt  }
0x57: {  	_ =	shalt  }
0x58: {  	_ =	shalt  }
0x59: {  	_ =	shalt  }
0x5a: {  	_ =	shalt  }
0x5b: {  	_ =	shalt  }
0x5c: {  	_ =	shalt  }
0x5d: {  	_ =	shalt  }
0x5e: {  	_ =	shalt  }
0x5f: {  	_ =	shalt  }
0x60: {  	_ =	shalt  }
0x61: {  	_ =	shalt  }
0x62: {  	_ =	shalt  }
0x63: {  	_ =	shalt  }
0x64: {  	_ =	shalt  }
0x65: {  	_ =	shalt  }
0x66: {  	_ =	shalt  }
0x67: {  	_ =	shalt  }
0x68: {  	_ =	shalt  }
0x69: {  	_ =	shalt  }
0x6a: {  	_ =	shalt  }
0x6b: {  	_ =	shalt  }
0x6c: {  	_ =	shalt  }
0x6d: {  	_ =	shalt  }
0x6e: {  	_ =	shalt  }
0x6f: {  	_ =	shalt  }
0x70: {  	_ =	shalt  }
0x71: {  	_ =	shalt  }
0x72: {  	_ =	shalt  }
0x73: {  	_ =	shalt  }
0x74: {  	_ =	shalt  }
0x75: {  	_ =	shalt  }
0x76: {  	_ =	shalt  }
0x77: {  	_ =	shalt  }
0x78: {  	_ =	shalt  }
0x79: {  	_ =	shalt  }
0x7a: {  	_ =	shalt  }
0x7b: {  	_ =	shalt  }
0x7c: {  	_ =	shalt  }
0x7d: {  	_ =	shalt  }
0x7e: {  	_ =	shalt  }
0x7f: {  	_ =	shalt  }
0x80: {  	_ =	shalt  }
0x81: {  	_ =	shalt  }
0x82: {  	_ =	shalt  }
0x83: {  	_ =	shalt  }
0x84: {  	_ =	shalt  }
0x85: {  	_ =	shalt  }
0x86: {  	_ =	shalt  }
0x87: {  	_ =	shalt  }
.Lfunc_end0:
.L_simem_size_0:
called_computation_lowered:
.L_overlay_start_0:
0x88: {  	s2 =	sld [smem:$0x3FD9]  }
0x89: {  	s3 =	sld [smem:$0x3FFE];
	_ =	sdelay $0x1  }
0x8a: {  	s1 =	srdreg.scid  }
0x8b: {  	s0 =	sand.u32 $0x1, s1  }
0x8c: {  	s17 =	sshll.u32 s0, $0xA;
	s2 =	sadd.s32 s3, s2  }
0x8d: {  	s2 =	sadd.s32 s2, s17  }
0x8e: {  	[smem:$0x3FC5] =	sst s2  }
0x8f: {  	_ = 	snop  }
0x90: {  	s2 =	sld [smem:$0x3FC9];
	(tm) =	ssettm $0x1  }
0x91: {  	s18 =	sld [smem:$0x3FFB];
	_ =	sdelay $0x3  }
0x92: {  	_ =	strace s18  }
0x93: {  	s3 =	sld [smem:$0x3FFC];
	_ =	sdelay $0x3  }
0x94: {  	_ =	strace s3  }
0x95: {  	s3 =	sld [smem:$0x3FFD];
	_ =	sdelay $0x3  }
0x96: {  	_ =	strace s3  }
0x97: {  	_ =	strace $0x8FFFFFFF  }
0x98: {  	s19 =	sld [smem:$0x3FDB];
	_ =	sdelay $0x1  }
0x99: {  	s4 =	simm.s32 $_scs_section_size  }
0x9a: {  	s5 =	simm.s32 $_size__tile_overlayer_lowered;
	s6 =	simm.s32 $_tile_overlayer_lowered  }
0x9b: {  	s22 =	simm.s32 $0x1BFF;
	s21 =	sshll.u32 s6, $0x1;
	s3 =	sadd.s32 s4, s19  }
0x9c: {  	s7 =	simm.s32 $0x0;
	s20 =	sshll.u32 s5, $0x1;
	s5 =	sadd.s32 s21, s3  }
0x9d: {  	[timem:s7], [sflag:s22] =	dma.local [hbm:s5], s20  }
0x9e: {  	_ =	swait.ge [sflag:s22], s20  }
0x9f: {  	s4 =	ssub.s32 $0x0, s20;
	[sflag:s22] =	ssyncset.done $0x0  }
0xa0: {  	[sflag:s22] =	ssyncadd.s32 s4;
	_ =	sdelay $0x1  }
0xa1: {  	s23 =	simm.s32 $0x1B8B  }
0xa2: {  	_ =	swait.ge [sflag:s23], $0x1  }
0xa3: {  	[sflag:s23] =	ssyncset.done $0x0  }
0xa4: {  	s25 =	simm.s32 $0x1B8E;
	s24 =	sld [smem:$0x3FFE];
	[sflag:s23] =	ssyncadd.s32 $0xFFFFFFFF  }
0xa5: {  	s26 =	simm.s32 $execute0_lowered;
	[smem:$0x3FD2] =	sst s25  }
0xa6: {  	s5 =	sshll.u32 s26, $0x1;
	_ =	strace $0x80000046;
	[dreg:$0x1] =	wrdreg $0xFFFFFFFF  }
0xa7: {  	s28 =	simm.s32 $_size_execute0_lowered;
	s3 =	sadd.s32 s3, s5;
	[dreg:$0x0] =	wrdreg $0x0  }
0xa8: {  	s5 =	sshll.u32 s28, $0x1;
	[dreg:$0x2] =	wrdreg s3  }
0xa9: {  	[dreg:$0x3] =	wrdreg s5  }
0xaa: {  	[dreg:$0x4] =	wrdreg $0xC0  }
0xab: {  	_ =	task [dreg:s7], $0x5FFFF  }
0xac: {  	[dreg:$0x1] =	wrdreg $0xFFFFFFFF  }
0xad: {  	[dreg:$0x0] =	wrdreg $0x60  }
0xae: {  	[dreg:$0x2] =	wrdreg s2  }
0xaf: {  	[dreg:$0x3] =	wrdreg s24  }
0xb0: {  	[dreg:$0x4] =	wrdreg $0x9  }
0xb1: {  	_ =	task.clear_ibuf [dreg:s7], $0x5FFFF;
	_ =	strace $0x90000046  }
0xb2: {  	s29 =	simm.s32 $0x9;
	_ =	strace $0x80000048  }
0xb3: {  	_ =	swait.ge [sflag:s29], $0x1  }
0xb4: {  	[sflag:s29] =	ssyncadd.s32 $0xFFFFFFFF  }
0xb5: {  	_ =	strace $0x90000048  }
0xb6: {  	_ =	sfence  }
0xb7: {  	s30 =	sld [smem:$0x0];
	_ =	sdelay $0x2  }
0xb8: {  	s31 =	sshll.u32 s1, $0xD;
	s1 =	sshrl.u32 s1, $0x2  }
0xb9: {  	s3 =	sand.u32 $0x4000, s31;
	s1 =	sadd.s32 s1, s30  }
0xba: {  	s0 =	sor.u32 s3, s0;
	s1 =	sshll.u32 s1, $0x11  }
0xbb: {  	s0 =	sor.u32 s1, s0  }
0xbc: {  	s0 =	sadd.s32 $0x8F2B, s0  }
0xbd: {  	[sflag:s0] =	ssyncadd.remote.s32 $0x1  }
0xbe: {  	_ =	sfence.sel $0xFFFF  }
0xbf: {  	[dreg:$0x0] =	wrdreg $0xFFFFFFFF;
	(pc) =	sbr.abs _section_cstart, $3  }
0xc0: {  	[dreg:$0x1] =	wrdreg $0xFFFFFFFF  }
0xc1: {  	_ =	task.clear_ibuf [dreg:s7], $0x2FFFF;
	_ =	strace $0x9FFFFFFF  }
0xc2: {  	(tm) =	ssettm $0x7FFFFFFF  }
0xc3: {  	_ =	shalt  }
tec
execute0_lowered:
.L_overlay_start_1:
0x0: {  	(tag) =	ssettag $0x1  }
0x1: {  	s3 =	rddreg [dreg:$0x0]  }
0x2: {  	s1 =	srdreg.scid;
	s0 =	stileid.u32  }
0x3: {  	s5 =	rddreg [dreg:$0x1];
	s6 =	sand.u32 $0x1, s1;
	s4 =	sshll.u32 s0, $0x1  }
0x4: {  	s2 =	simm.s32 $0x0;
	s1 =	rddreg [dreg:$0x2];
	s7 =	sor.u32 s6, s4  }
0x5: {  	[smem:$0x7FF] =	sst s2;
	s4 =	sshll.u32 s7, $0x6  }
0x6: {  	_ =	strace $0x80000047;
	s4 =	sadd.s32 s3, s4;
	s3 =	simm.s32 $0x1  }
0x7: {  	[tilespmem:s2], [sflag:$0x1] =	stream.linear.gather [hbm4b:s4+s2], $0x200, $0x38;
	[tilespmem:$0x280] =	vst v63  }
0x8: {  	_ =	swait.ge [sflag:s3], $0x200  }
0x9: {  	[sflag:s3] =	ssyncset.done $0x0  }
0xa: {  	[sflag:s3] =	ssyncadd.s32 $0xFFFFFE00  }
0xb: {  	v0 =	vld [tilespmem:$0x0]  }
0xc: {  	v1 =	vld [tilespmem:$0x10]  }
0xd: {  	v2 =	vld [tilespmem:$0x20]  }
0xe: {  	v3 =	vld [tilespmem:$0x30]  }
0xf: {  	v4 =	vld [tilespmem:$0x40]  }
0x10: {  	v5 =	vld [tilespmem:$0x50]  }
0x11: {  	v6 =	vld [tilespmem:$0x60];
	v0 =	vadd.s32 v0, v1  }
0x12: {  	v39 =	vld [tilespmem:$0x70];
	v0 =	vadd.s32 v2, v0  }
0x13: {  	v40 =	vld [tilespmem:$0x80];
	v0 =	vadd.s32 v3, v0  }
0x14: {  	v41 =	vld [tilespmem:$0x90];
	v0 =	vadd.s32 v4, v0  }
0x15: {  	v42 =	vld [tilespmem:$0xA0];
	v0 =	vadd.s32 v5, v0  }
0x16: {  	v43 =	vld [tilespmem:$0xB0];
	v0 =	vadd.s32 v6, v0  }
0x17: {  	v44 =	vld [tilespmem:$0xC0];
	v0 =	vadd.s32 v39, v0  }
0x18: {  	v45 =	vld [tilespmem:$0xD0];
	v0 =	vadd.s32 v40, v0  }
0x19: {  	v46 =	vld [tilespmem:$0xE0];
	v0 =	vadd.s32 v41, v0  }
0x1a: {  	v47 =	vld [tilespmem:$0xF0];
	v0 =	vadd.s32 v42, v0  }
0x1b: {  	v48 =	vld [tilespmem:$0x100];
	v0 =	vadd.s32 v43, v0  }
0x1c: {  	v49 =	vld [tilespmem:$0x110];
	v0 =	vadd.s32 v44, v0  }
0x1d: {  	v50 =	vld [tilespmem:$0x120];
	v0 =	vadd.s32 v45, v0  }
0x1e: {  	v51 =	vld [tilespmem:$0x130];
	v0 =	vadd.s32 v46, v0  }
0x1f: {  	v52 =	vld [tilespmem:$0x140];
	v0 =	vadd.s32 v47, v0  }
0x20: {  	v53 =	vld [tilespmem:$0x150];
	v0 =	vadd.s32 v48, v0  }
0x21: {  	v54 =	vld [tilespmem:$0x160];
	v0 =	vadd.s32 v49, v0  }
0x22: {  	v55 =	vld [tilespmem:$0x170];
	v0 =	vadd.s32 v50, v0  }
0x23: {  	v56 =	vld [tilespmem:$0x180];
	v0 =	vadd.s32 v51, v0  }
0x24: {  	v57 =	vld [tilespmem:$0x190];
	v0 =	vadd.s32 v52, v0  }
0x25: {  	v58 =	vld [tilespmem:$0x1A0];
	v0 =	vadd.s32 v53, v0  }
0x26: {  	v59 =	vld [tilespmem:$0x1B0];
	v0 =	vadd.s32 v54, v0  }
0x27: {  	v60 =	vld [tilespmem:$0x1C0];
	v0 =	vadd.s32 v55, v0  }
0x28: {  	v61 =	vld [tilespmem:$0x1D0];
	v0 =	vadd.s32 v56, v0  }
0x29: {  	v62 =	vld [tilespmem:$0x1E0];
	v0 =	vadd.s32 v57, v0  }
0x2a: {  	s6 =	ssub.s32 $0x2, s6;
	v63 =	vld [tilespmem:$0x1F0];
	v0 =	vadd.s32 v58, v0  }
0x2b: {  	s8 =	sshrl.u32 s6, $0x1;
	v0 =	vadd.s32 v59, v0  }
0x2c: {  	s6 =	ssub.s32 s6, s8;
	v0 =	vadd.s32 v60, v0  }
0x2d: {  	s31 =	smax.u32 s6, $0x1;
	v0 =	vadd.s32 v61, v0  }
0x2e: {  	p0 =	sne.s32 s31, $0x1;
	v0 =	vadd.s32 v62, v0  }
.Ltmp0:
0x2f: {  	v0 =	vadd.s32 v63, v0;
	(pc) =	sbr.rel @!p0 .LBB2_2-.Ltmp0, $4  }
0x30: {  	s7 =	sshll.u32 s7, $0x4;
	v0 =	vcvt.s32.f32 v0  }
0x31: {  	s5 =	sadd.s32 s7, s5  }
0x32: {  	s5 =	sadd.s32 $0x800, s5;
	s6 =	simm.s32 $0x200;
	s7 =	sadd.s32 $0xFFFFFFFF, s31;
	[tilespmem:$0x200] =	vst v0  }
0x33: {  	[hbm4b:s5+s2] =	stream.linear.scatter [tilespmem:s6], [sflag:$0x1], $0x80, $0x38;
	[tilespmem:$0x280] =	vst v63  }
.LBB2_1:
0x34: {  	p0 =	sne.s32 s7, $0x1;
	s7 =	sadd.s32 $0xFFFFFFFF, s7;
	_ =	swait.ge [sflag:s3], $0x80  }
0x35: {  	[sflag:s3] =	ssyncset.done $0x0  }
0x36: {  	[sflag:s3] =	ssyncadd.s32 $0xFFFFFF80  }
0x37: {  	[tilespmem:s2], [sflag:$0x1] =	stream.linear.gather [hbm4b:s4+s2], $0x200, $0x38;
	[tilespmem:$0x280] =	vst v63  }
0x38: {  	_ =	swait.ge [sflag:s3], $0x200  }
0x39: {  	[sflag:s3] =	ssyncset.done $0x0  }
0x3a: {  	[sflag:s3] =	ssyncadd.s32 $0xFFFFFE00  }
0x3b: {  	v0 =	vld [tilespmem:$0x20]  }
0x3c: {  	v1 =	vld [tilespmem:$0x0]  }
0x3d: {  	v2 =	vld [tilespmem:$0x10]  }
0x3e: {  	v3 =	vld [tilespmem:$0x30]  }
0x3f: {  	v4 =	vld [tilespmem:$0x40]  }
0x40: {  	v5 =	vld [tilespmem:$0x50]  }
0x41: {  	v6 =	vld [tilespmem:$0x60]  }
0x42: {  	v1 =	vadd.s32 v1, v2;
	v2 =	vld [tilespmem:$0x70]  }
0x43: {  	v0 =	vadd.s32 v0, v1;
	v1 =	vld [tilespmem:$0x80]  }
0x44: {  	v0 =	vadd.s32 v3, v0;
	v3 =	vld [tilespmem:$0x90]  }
0x45: {  	v0 =	vadd.s32 v4, v0;
	v4 =	vld [tilespmem:$0xA0]  }
0x46: {  	v0 =	vadd.s32 v5, v0;
	v5 =	vld [tilespmem:$0xB0]  }
0x47: {  	v0 =	vadd.s32 v6, v0;
	v6 =	vld [tilespmem:$0xC0]  }
0x48: {  	v0 =	vadd.s32 v2, v0;
	v2 =	vld [tilespmem:$0xD0]  }
0x49: {  	v0 =	vadd.s32 v1, v0;
	v1 =	vld [tilespmem:$0xE0]  }
0x4a: {  	v0 =	vadd.s32 v3, v0;
	v3 =	vld [tilespmem:$0xF0]  }
0x4b: {  	v0 =	vadd.s32 v4, v0;
	v4 =	vld [tilespmem:$0x100]  }
0x4c: {  	v0 =	vadd.s32 v5, v0;
	v5 =	vld [tilespmem:$0x110]  }
0x4d: {  	v0 =	vadd.s32 v6, v0;
	v6 =	vld [tilespmem:$0x120]  }
0x4e: {  	v0 =	vadd.s32 v2, v0;
	v2 =	vld [tilespmem:$0x130]  }
0x4f: {  	v0 =	vadd.s32 v1, v0;
	v1 =	vld [tilespmem:$0x140]  }
0x50: {  	v0 =	vadd.s32 v3, v0;
	v3 =	vld [tilespmem:$0x150]  }
0x51: {  	v0 =	vadd.s32 v4, v0;
	v4 =	vld [tilespmem:$0x160]  }
0x52: {  	v0 =	vadd.s32 v5, v0;
	v5 =	vld [tilespmem:$0x170]  }
0x53: {  	v0 =	vadd.s32 v6, v0;
	v6 =	vld [tilespmem:$0x180]  }
0x54: {  	v0 =	vadd.s32 v2, v0;
	v2 =	vld [tilespmem:$0x190]  }
0x55: {  	v0 =	vadd.s32 v1, v0;
	v1 =	vld [tilespmem:$0x1A0]  }
0x56: {  	v0 =	vadd.s32 v3, v0;
	v3 =	vld [tilespmem:$0x1B0]  }
0x57: {  	v0 =	vadd.s32 v4, v0;
	v4 =	vld [tilespmem:$0x1C0]  }
0x58: {  	v0 =	vadd.s32 v5, v0;
	v5 =	vld [tilespmem:$0x1D0]  }
0x59: {  	v0 =	vadd.s32 v6, v0;
	v6 =	vld [tilespmem:$0x1E0]  }
0x5a: {  	v0 =	vadd.s32 v2, v0;
	v2 =	vld [tilespmem:$0x1F0]  }
0x5b: {  	v0 =	vadd.s32 v1, v0  }
0x5c: {  	v0 =	vadd.s32 v3, v0  }
0x5d: {  	v0 =	vadd.s32 v4, v0  }
0x5e: {  	v0 =	vadd.s32 v5, v0  }
0x5f: {  	v0 =	vadd.s32 v6, v0  }
.Ltmp1:
0x60: {  	v0 =	vadd.s32 v2, v0;
	(pc) =	sbr.rel @p0 .LBB2_1-.Ltmp1, $3  }
0x61: {  	v0 =	vcvt.s32.f32 v0;
	_ =	sdelay $0x1  }
0x62: {  	[tilespmem:$0x200] =	vst v0  }
0x63: {  	[hbm4b:s5+s2] =	stream.linear.scatter [tilespmem:s6], [sflag:$0x1], $0x80, $0x38;
	[tilespmem:$0x280] =	vst v63  }
.LBB2_2:
0x64: {  	_ =	swait.ge [sflag:s3], $0x80  }
0x65: {  	[sflag:s3] =	ssyncset.done $0x0  }
0x66: {  	[sflag:s3] =	ssyncadd.s32 $0xFFFFFF80  }
0x67: {  	_ =	sfence.sel $0x180000  }
0x68: {  	[bflag:$0x0] =	sbarrier.arrive $0xFFFF  }
0x69: {  	p0 =	sne.s32 s0, $0x0;
	_ =	strace $0x90000047  }
0x6a: {  	s0 =	sadd.s32 @!p0 $0x100000, s1;
	[bflag:$0x2] =	sbarrier.arrive $0xFFFF  }
0x6b: {  	[sflag:s0] =	ssyncadd.tile.s32 @!p0 $0x1;
	_ =	shalt  }
.Lfunc_end2:
_tile_overlayer_lowered:
.L_overlay_start_2:
0x6c: {  	(tag) =	ssettag $0x2  }
0x6d: {  	s0 =	rddreg [dreg:$0x0];
	s2 =	stileid.u32  }
0x6e: {  	s1 =	rddreg [dreg:$0x1];
	p0 =	sne.s32 s2, $0x0  }
0x6f: {  	s3 =	rddreg [dreg:$0x2];
	[bflag:$0x3] =	sbarrier.arrive $0xFFFF;
	s2 =	simm.s32 @!p0 $0x1C01  }
0x70: {  	[timem:s3], [sflag:s2] =	dma.local @!p0 [hbm:s0], s1  }
0x71: {  	s0 =	simm.s32 @!p0 $0x1  }
0x72: {  	_ =	swait.ge @!p0 [sflag:s0], s1  }
0x73: {  	s1 =	ssub.s32 @!p0 $0x0, s1;
	[sflag:s0] =	ssyncset.done @!p0 $0x0  }
0x74: {  	[sflag:s0] =	ssyncadd.s32 @!p0 s1  }
0x75: {  	[bflag:$0x3] =	sbarrier.arrive $0xFFFF  }
0x76: {  	_ =	shalt  }

</sc_bundles>
